<compile_context>
chip_gen: v7x
topology: tpu7x:2x2x1
jax: 0.10.2.dev20260603
libtpu: 0.0.44.dev20260713+nightly
codegen_flags: <defaults>
</compile_context>

<pallas_src>
import functools

import jax
import jax.numpy as jnp
from jax import lax
from jax.experimental import pallas as pl
from jax.experimental.pallas import tpu as pltpu
from jax.experimental.pallas import tpu_sc as plsc

_B = 8
_H = 224
_W = 224
_C = 96

_INFO = plsc.get_sparse_core_info()
_NC = _INFO.num_cores
_NS = _INFO.num_subcores
_NW = _NC * _NS
_RB = 2
_RPW = _H // (_NW // _B)
_CPW = _RPW // _RB


def _sc_copy(x):
    mesh = plsc.VectorSubcoreMesh(core_axis_name="c", subcore_axis_name="s")

    @functools.partial(
        pl.kernel,
        mesh=mesh,
        out_type=jax.ShapeDtypeStruct((_B, _H, _W, _C), jnp.float32),
        scratch_types=[
            pltpu.VMEM((_RB, _W, _C), jnp.float32),
            pltpu.VMEM((_RB, _W, _C), jnp.float32),
            pltpu.SemaphoreType.DMA,
            pltpu.SemaphoreType.DMA,
        ],
    )
    def k(x_hbm, out_hbm, buf0, buf1, sem0, sem1):
        wid = lax.axis_index("s") * _NC + lax.axis_index("c")
        b = wid % _B
        q = wid // _B
        r_base = q * _RPW

        def body(j, carry):
            r0 = r_base + j * _RB
            pltpu.async_copy(x_hbm.at[b, pl.ds(r0, _RB)], buf0, sem0).wait()
            pltpu.async_copy(buf0, out_hbm.at[b, pl.ds(r0, _RB)], sem1).wait()
            return carry

        lax.fori_loop(0, _CPW, body, 0)
        _ = buf1

    return k(x)


def kernel(x):
    return _sc_copy(x.astype(jnp.float32))

# --- scband reference (transcript-rebuilt; emitter-appended) ---
"""Pipeline reference for scband-cut-out-65618510348349 (READ-ONLY COPY).

The authoritative reference and input builder live on the scoring server;
editing this copy changes nothing except your own understanding.
"""

import jax, jax.numpy as jnp
import numpy as np
import math

SQUARE_SIZE = 0.3
NUM_SQUARES = 2
PROB = 0.5


def setup_inputs(seed: int = 0) -> dict:
    key = jax.random.key(seed)
    x = jax.random.uniform(key, (8, 224, 224, 96), dtype=jnp.float32)
    return {"x": x}


def _cutout(images, square_size, num_squares, prob, key):
    images = images.astype(jnp.float32)
    bs, h, w, c = images.shape
    k1, k2, k3, k4 = jax.random.split(key, 4)
    prob_img = (jax.random.uniform(k1, (bs,)) <= prob).astype(jnp.int32)
    prob_img = jnp.tile(prob_img.reshape(-1, 1, 1), (1, h, w))
    ssp = int(math.ceil(h * square_size))
    coords_x = jax.random.randint(k2, (bs, num_squares), 0, h - ssp)
    coords_x = jnp.linspace(coords_x.astype(jnp.float32), (coords_x + ssp - 1).astype(jnp.float32), ssp)
    coords_x = jnp.transpose(coords_x).astype(jnp.int32)
    coords_y = jax.random.randint(k3, (bs, num_squares), 0, h - ssp)
    coords_y = jnp.linspace(coords_y.astype(jnp.float32), (coords_y + ssp - 1).astype(jnp.float32), ssp)
    coords_y = jnp.transpose(coords_y).astype(jnp.int32)
    grid_y = jnp.reshape(jnp.tile(coords_y, (1, 1, ssp)), (bs, num_squares, 1, ssp * ssp))
    grid_y = jnp.transpose(jnp.reshape(grid_y, (bs, num_squares, ssp, ssp)), (0, 1, 3, 2))
    grid_x = jnp.reshape(jnp.tile(coords_x, (1, 1, ssp)), (bs, num_squares, 1, ssp * ssp))
    grid_x = jnp.reshape(grid_x, (bs, num_squares, ssp, ssp))
    grid = jnp.stack([grid_y, grid_x], axis=0)
    grid = jnp.reshape(jnp.transpose(grid, (1, 4, 3, 2, 0)), (bs, ssp * ssp * num_squares, 2))
    batch_indices = jnp.reshape(jnp.tile(jnp.arange(bs), ssp * ssp * num_squares), (ssp * ssp * num_squares, bs))
    batch_indices = jnp.reshape(jnp.transpose(batch_indices), (bs, ssp * ssp * num_squares, 1))
    grid = jnp.concatenate([batch_indices, grid], axis=2)
    updates = jnp.ones((bs, ssp * ssp * num_squares), dtype=jnp.float32) * -1.0
    masks = jnp.zeros((bs, h, w), dtype=jnp.float32).at[grid[..., 0], grid[..., 1], grid[..., 2]].add(updates) + 1.0
    masks = jnp.clip(masks, 0.0, 1.0)
    masks = jnp.where(prob_img.astype(bool), masks, jnp.ones_like(masks))
    random_image = jax.random.uniform(k4, (bs, h, w, c), dtype=jnp.float32)
    return images * masks[..., None] + random_image * (1.0 - masks[..., None])


def reference(x):
    # training=True path of CutOut.call
    return _cutout(x, SQUARE_SIZE, NUM_SQUARES, PROB, jax.random.key(42))

if __name__ == "__main__":
    import jax
    _d = setup_inputs()
    print(jax.jit(kernel)(*tuple(_d.values())))

</pallas_src>

<mosaic_0001>
#map = affine_map<(d0, d1) -> (0, 0, 0, 0)>
module attributes {stable_mosaic.version = 14 : i64} {
  func.func @k(%arg0: i32, %arg1: i32, %arg2: memref<8x224x224x96xf32, #tpu.memory_space<hbm>>, %arg3: memref<8x224x224x96xf32, #tpu.memory_space<hbm>>, %arg4: memref<2x224x96xf32, #tpu.memory_space<vmem>>, %arg5: memref<2x224x96xf32, #tpu.memory_space<vmem>>, %arg6: memref<!tpu.dma_semaphore, #tpu.memory_space<semaphore_mem>>, %arg7: memref<!tpu.dma_semaphore, #tpu.memory_space<semaphore_mem>>) attributes {dimension_semantics = [#tpu.dimension_semantics<core_parallel>, #tpu.dimension_semantics<subcore_parallel>], iteration_bounds = array<i64: 2, 16>, scalar_prefetch = 0 : i64, scratch_operands = 4 : i64, tpu.core_type = #tpu.core_type<sc_vector_subcore>, window_params = [{transform_indices = #map}, {transform_indices = #map}]} {
    %mul3A = arith.constant 2 : i32
    %mul3A_0 = arith.muli %arg1, %mul3A : i32
    %add3A = arith.addi %mul3A_0, %arg0 : i32
    %jit3A = arith.constant 8 : i32
    %eq3A = arith.constant 0 : i32
    %eq3A_1 = arith.cmpi eq, %jit3A, %eq3A : i32
    %jit3A_2 = arith.constant 1 : i32
    %select_n3A = arith.select %eq3A_1, %jit3A_2, %jit3A : i32
    %rem3A = arith.remsi %add3A, %select_n3A : i32
    %ne3A = arith.constant 0 : i32
    %ne3A_3 = arith.cmpi ne, %rem3A, %ne3A : i32
    %lt3A = arith.constant 0 : i32
    %lt3A_4 = arith.cmpi slt, %rem3A, %lt3A : i32
    %lt3A_5 = arith.constant 0 : i32
    %lt3A_6 = arith.cmpi slt, %select_n3A, %lt3A_5 : i32
    %ne3A_7 = arith.xori %lt3A_4, %lt3A_6 : i1
    %and3A = arith.andi %ne3A_7, %ne3A_3 : i1
    %add3A_8 = arith.addi %rem3A, %select_n3A : i32
    %select_n3A_9 = arith.select %and3A, %add3A_8, %rem3A : i32
    %jit3A_10 = arith.constant 8 : i32
    %div3A = arith.divsi %add3A, %jit3A_10 : i32
    %sign3A = arith.constant 0 : i32
    %sign3A_11 = arith.cmpi sgt, %add3A, %sign3A : i32
    %sign3A_12 = arith.extui %sign3A_11 : i1 to i32
    %sign3A_13 = arith.constant 0 : i32
    %sign3A_14 = arith.cmpi slt, %add3A, %sign3A_13 : i32
    %sign3A_15 = arith.extui %sign3A_14 : i1 to i32
    %sign3A_16 = arith.subi %sign3A_12, %sign3A_15 : i32
    %sign3A_17 = arith.constant 0 : i32
    %sign3A_18 = arith.cmpi sgt, %jit3A_10, %sign3A_17 : i32
    %sign3A_19 = arith.extui %sign3A_18 : i1 to i32
    %sign3A_20 = arith.constant 0 : i32
    %sign3A_21 = arith.cmpi slt, %jit3A_10, %sign3A_20 : i32
    %sign3A_22 = arith.extui %sign3A_21 : i1 to i32
    %sign3A_23 = arith.subi %sign3A_19, %sign3A_22 : i32
    %ne3A_24 = arith.cmpi ne, %sign3A_16, %sign3A_23 : i32
    %rem3A_25 = arith.remsi %add3A, %jit3A_10 : i32
    %ne3A_26 = arith.constant 0 : i32
    %ne3A_27 = arith.cmpi ne, %rem3A_25, %ne3A_26 : i32
    %and3A_28 = arith.andi %ne3A_24, %ne3A_27 : i1
    %sub3A = arith.constant 1 : i32
    %sub3A_29 = arith.subi %div3A, %sub3A : i32
    %select_n3A_30 = arith.select %and3A_28, %sub3A_29, %div3A : i32
    %mul3A_31 = arith.constant 56 : i32
    %mul3A_32 = arith.muli %select_n3A_30, %mul3A_31 : i32
    %scan3A = arith.constant 0 : i32
    %scan3A_33 = arith.constant 0 : i32
    %scan3A_34 = arith.constant 28 : i32
    %scan3A_35 = arith.addi %scan3A_33, %scan3A_34 : i32
    %scan3A_36 = arith.constant 1 : i32
    scf.for %scan3A_38 = %scan3A_33 to %scan3A_35 step %scan3A_36  : i32 {
      %mul3A_39 = arith.constant 2 : i32
      %mul3A_40 = arith.muli %scan3A_38, %mul3A_39 : i32
      %add3A_41 = arith.addi %mul3A_32, %mul3A_40 : i32
      %dma_start3A = arith.constant 0 : i32
      %dma_start3A_42 = arith.constant 0 : i32
      %dma_start3A_43 = tpu.memref_slice %arg2[%select_n3A_9, %add3A_41, %dma_start3A, %dma_start3A_42] : memref<8x224x224x96xf32, #tpu.memory_space<hbm>> -> memref<1x2x224x96xf32, #tpu.memory_space<hbm>>
      %dma_start3A_44 = tpu.memref_squeeze %dma_start3A_43 : memref<1x2x224x96xf32, #tpu.memory_space<hbm>> -> memref<2x224x96xf32, #tpu.memory_space<hbm>>
      %dma_start3A_45 = arith.constant 0 : i32
      %dma_start3A_46 = arith.constant 0 : i32
      %dma_start3A_47 = tpu.memref_slice %arg2[%select_n3A_9, %add3A_41, %dma_start3A_45, %dma_start3A_46] : memref<8x224x224x96xf32, #tpu.memory_space<hbm>> -> memref<1x2x224x96xf32, #tpu.memory_space<hbm>>
      %dma_start3A_48 = tpu.memref_squeeze %dma_start3A_47 : memref<1x2x224x96xf32, #tpu.memory_space<hbm>> -> memref<2x224x96xf32, #tpu.memory_space<hbm>>
      tpu.enqueue_dma source(%dma_start3A_48 : memref<2x224x96xf32, #tpu.memory_space<hbm>>) target(%arg4 : memref<2x224x96xf32, #tpu.memory_space<vmem>>) target_semaphore(%arg6 : memref<!tpu.dma_semaphore, #tpu.memory_space<semaphore_mem>>)
      %dma_wait3A = arith.constant 0 : i32
      %dma_wait3A_49 = arith.constant 0 : i32
      %dma_wait3A_50 = tpu.memref_slice %arg2[%select_n3A_9, %add3A_41, %dma_wait3A, %dma_wait3A_49] : memref<8x224x224x96xf32, #tpu.memory_space<hbm>> -> memref<1x2x224x96xf32, #tpu.memory_space<hbm>>
      %dma_wait3A_51 = tpu.memref_squeeze %dma_wait3A_50 : memref<1x2x224x96xf32, #tpu.memory_space<hbm>> -> memref<2x224x96xf32, #tpu.memory_space<hbm>>
      %dma_wait3A_52 = arith.constant 0 : i32
      %dma_wait3A_53 = arith.constant 0 : i32
      %dma_wait3A_54 = tpu.memref_slice %arg2[%select_n3A_9, %add3A_41, %dma_wait3A_52, %dma_wait3A_53] : memref<8x224x224x96xf32, #tpu.memory_space<hbm>> -> memref<1x2x224x96xf32, #tpu.memory_space<hbm>>
      %dma_wait3A_55 = tpu.memref_squeeze %dma_wait3A_54 : memref<1x2x224x96xf32, #tpu.memory_space<hbm>> -> memref<2x224x96xf32, #tpu.memory_space<hbm>>
      tpu.wait_dma2 semaphore(%arg6 : memref<!tpu.dma_semaphore, #tpu.memory_space<semaphore_mem>>) src(%dma_wait3A_55 : memref<2x224x96xf32, #tpu.memory_space<hbm>>) dst(%arg4 : memref<2x224x96xf32, #tpu.memory_space<vmem>>)
      %dma_start3A_56 = arith.constant 0 : i32
      %dma_start3A_57 = arith.constant 0 : i32
      %dma_start3A_58 = tpu.memref_slice %arg3[%select_n3A_9, %add3A_41, %dma_start3A_56, %dma_start3A_57] : memref<8x224x224x96xf32, #tpu.memory_space<hbm>> -> memref<1x2x224x96xf32, #tpu.memory_space<hbm>>
      %dma_start3A_59 = tpu.memref_squeeze %dma_start3A_58 : memref<1x2x224x96xf32, #tpu.memory_space<hbm>> -> memref<2x224x96xf32, #tpu.memory_space<hbm>>
      %dma_start3A_60 = arith.constant 0 : i32
      %dma_start3A_61 = arith.constant 0 : i32
      %dma_start3A_62 = tpu.memref_slice %arg3[%select_n3A_9, %add3A_41, %dma_start3A_60, %dma_start3A_61] : memref<8x224x224x96xf32, #tpu.memory_space<hbm>> -> memref<1x2x224x96xf32, #tpu.memory_space<hbm>>
      %dma_start3A_63 = tpu.memref_squeeze %dma_start3A_62 : memref<1x2x224x96xf32, #tpu.memory_space<hbm>> -> memref<2x224x96xf32, #tpu.memory_space<hbm>>
      tpu.enqueue_dma source(%arg4 : memref<2x224x96xf32, #tpu.memory_space<vmem>>) target(%dma_start3A_63 : memref<2x224x96xf32, #tpu.memory_space<hbm>>) target_semaphore(%arg7 : memref<!tpu.dma_semaphore, #tpu.memory_space<semaphore_mem>>)
      %dma_wait3A_64 = arith.constant 0 : i32
      %dma_wait3A_65 = arith.constant 0 : i32
      %dma_wait3A_66 = tpu.memref_slice %arg3[%select_n3A_9, %add3A_41, %dma_wait3A_64, %dma_wait3A_65] : memref<8x224x224x96xf32, #tpu.memory_space<hbm>> -> memref<1x2x224x96xf32, #tpu.memory_space<hbm>>
      %dma_wait3A_67 = tpu.memref_squeeze %dma_wait3A_66 : memref<1x2x224x96xf32, #tpu.memory_space<hbm>> -> memref<2x224x96xf32, #tpu.memory_space<hbm>>
      %dma_wait3A_68 = arith.constant 0 : i32
      %dma_wait3A_69 = arith.constant 0 : i32
      %dma_wait3A_70 = tpu.memref_slice %arg3[%select_n3A_9, %add3A_41, %dma_wait3A_68, %dma_wait3A_69] : memref<8x224x224x96xf32, #tpu.memory_space<hbm>> -> memref<1x2x224x96xf32, #tpu.memory_space<hbm>>
      %dma_wait3A_71 = tpu.memref_squeeze %dma_wait3A_70 : memref<1x2x224x96xf32, #tpu.memory_space<hbm>> -> memref<2x224x96xf32, #tpu.memory_space<hbm>>
      tpu.wait_dma2 semaphore(%arg7 : memref<!tpu.dma_semaphore, #tpu.memory_space<semaphore_mem>>) src(%arg4 : memref<2x224x96xf32, #tpu.memory_space<vmem>>) dst(%dma_wait3A_71 : memref<2x224x96xf32, #tpu.memory_space<hbm>>)
    }
    %scan3A_37 = arith.constant 28 : i32
    return
  }
}

</mosaic_0001>

<sc_bundles>
// kernel: kernel.3.cloned.1.call-start
scs
__scs_entry_jumppad:
0x0: {  	(pc) =	sbr.rel $0x88, $3  }
0x1: {  	(tag) =	ssettag $0x0;
	lr =	simm.s32 $0x1  }
0x2: {  	[smem:$0x3FA0] =	sst lr;
	_ =	strace $0xD0000000  }
0x3: {  	_ = 	snop  }
0x4: {  	_ = 	snop  }
0x5: {  	_ = 	snop  }
0x6: {  	_ = 	snop  }
0x7: {  	_ = 	snop  }
__scs_overlays_trampoline_lowered:
0x8: {  	[smem:$0x3FAF] =	sst s0  }
0x9: {  	[smem:$0x3FB0] =	sst s1  }
0xa: {  	[smem:$0x3FB1] =	sst s2  }
0xb: {  	[smem:$0x3FB2] =	sst s3  }
0xc: {  	[smem:$0x3FB3] =	sst s4  }
0xd: {  	[smem:$0x3FB4] =	sst s5  }
0xe: {  	[smem:$0x3FB5] =	sst s6  }
0xf: {  	[smem:$0x3FB6] =	sst s7  }
0x10: {  	[smem:$0x3FB7] =	sst s8  }
0x11: {  	[smem:$0x3FB8] =	sst s9;
	s0 =	simm.s32 @!p0 $0x0  }
0x12: {  	s1 =	sld [smem:$0x3F9E];
	s0 =	simm.s32 @p0 $0x1  }
0x13: {  	[smem:$0x3FB9] =	sst s0;
	s0 =	simm.s32 @!p1 $0x0  }
0x14: {  	s2 =	sld [smem:$0x3F9D];
	s0 =	simm.s32 @p1 $0x1  }
0x15: {  	[smem:$0x3FBA] =	sst s0;
	s0 =	simm.s32 @!p2 $0x0  }
0x16: {  	s3 =	sld [smem:$0x3FDB];
	s0 =	simm.s32 @p2 $0x1  }
0x17: {  	s4 =	simm.s32 $0x1BF5;
	[smem:$0x3FBC] =	sst s0  }
0x18: {  	s0 =	sld [smem:$0x3F9F];
	_ =	swait.ge [sflag:s4], $0x0  }
0x19: {  	s7 =	sld [smem:$0x3FA0]  }
0x1a: {  	s8 =	sadd.s32 $0xFFFFE003, lr  }
0x1b: {  	s9 =	sadd.s32 $0xFFFFFEF7, lr;
	s5 =	simm.s32 $0xFFFFFFFF;
	p2 =	slt.u32 s8, $0xFFFFF086  }
0x1c: {  	p1 =	slt.u32 s9, $0xF7A;
	s5 =	simm.s32 @!p2 $0x0  }
0x1d: {  	s5 =	simm.s32 @p1 $0x1;
	p0 =	seq.s32 s7, s2  }
0x1e: {  	s7 =	smul.u32 @!p0 $0xF7A, s2;
	p2 =	seq.s32 @!p0 s5, $0x0  }
0x1f: {  	s9 =	smul.u32 $0xF7A, s1;
	s8 =	simm.s32 @!p0 $0x1BF5;
	p2 =	por !p2, p0  }
0x20: {  	[sflag:s8] =	ssyncset.s32 @!p0 $0xFFFFF086;
	s6 =	sadd.s32 @!p0 s3, s7;
	s7 =	simm.s32 @!p0 $0x108  }
0x21: {  	s3 =	sadd.s32 s3, s9;
	s6 =	sadd.s32 @!p0 $0x88, s6;
	s7 =	simm.s32 @p2 $0x1082  }
0x22: {  	[simem:s7], [sflag:s8] =	dma.local @!p0 [hbm:s6], $0xF7A  }
0x23: {  	s9 =	sor.u32 $0xD0000000, s2;
	s6 =	simm.s32 $0x108;
	_ =	swait.ge @!p0 [sflag:s8], $0x0  }
0x24: {  	s3 =	sadd.s32 $0x88, s3;
	s6 =	simm.s32 @!p1 $0x1082;
	[sflag:s4] =	ssyncset.s32 $0xFFFFF086  }
0x25: {  	[simem:s6], [sflag:s4] =	dma.local [hbm:s3], $0xF7A  }
0x26: {  	[smem:$0x3FA0] =	sst s1;
	(tag) =	ssettag s2;
	_ =	strace s9  }
0x27: {  	s1 =	sld [smem:$0x3FB0]  }
0x28: {  	s2 =	sld [smem:$0x3FB1]  }
0x29: {  	s4 =	sld [smem:$0x3FB3]  }
0x2a: {  	p0 =	seq.s32 s5, $0x0;
	s5 =	sld [smem:$0x3FB4]  }
0x2b: {  	s6 =	sld [smem:$0x3FB5]  }
0x2c: {  	s7 =	sld [smem:$0x3FB6]  }
0x2d: {  	s3 =	simm.s32 $0x108;
	s8 =	sld [smem:$0x3FB7]  }
0x2e: {  	s3 =	simm.s32 @!p0 $0x1082;
	s9 =	sld [smem:$0x3FB8]  }
0x2f: {  	lr =	sadd.s32 s0, s3;
	s0 =	sld [smem:$0x3FAF]  }
0x30: {  	s3 =	sld [smem:$0x3FB2]  }
0x31: {  	[smem:$0x3FBB] =	sst s10  }
0x32: {  	s10 =	sld [smem:$0x3FB9];
	_ =	sdelay $0x3  }
0x33: {  	p0 =	seq.s32 s10, $0x1;
	s10 =	sld [smem:$0x3FBB];
	_ =	sdelay $0x3  }
0x34: {  	[smem:$0x3FBB] =	sst s10  }
0x35: {  	s10 =	sld [smem:$0x3FBA];
	_ =	sdelay $0x3  }
0x36: {  	p1 =	seq.s32 s10, $0x1;
	s10 =	sld [smem:$0x3FBB];
	_ =	sdelay $0x3  }
0x37: {  	[smem:$0x3FBB] =	sst s10  }
0x38: {  	s10 =	sld [smem:$0x3FBC]  }
0x39: {  	_ = 	snop;
	(pc) =	sbr.ind lr, $3  }
0x3a: {  	_ = 	snop  }
0x3b: {  	_ = 	snop  }
0x3c: {  	p2 =	seq.s32 s10, $0x1;
	s10 =	sld [smem:$0x3FBB]  }
0x3d: {  	_ =	shalt  }
0x3e: {  	_ =	shalt  }
0x3f: {  	_ =	shalt  }
0x40: {  	_ =	shalt  }
0x41: {  	_ =	shalt  }
0x42: {  	_ =	shalt  }
0x43: {  	_ =	shalt  }
0x44: {  	_ =	shalt  }
0x45: {  	_ =	shalt  }
0x46: {  	_ =	shalt  }
0x47: {  	_ =	shalt  }
0x48: {  	_ =	shalt  }
0x49: {  	_ =	shalt  }
0x4a: {  	_ =	shalt  }
0x4b: {  	_ =	shalt  }
0x4c: {  	_ =	shalt  }
0x4d: {  	_ =	shalt  }
0x4e: {  	_ =	shalt  }
0x4f: {  	_ =	shalt  }
0x50: {  	_ =	shalt  }
0x51: {  	_ =	shalt  }
0x52: {  	_ =	shalt  }
0x53: {  	_ =	shalt  }
0x54: {  	_ =	shalt  }
0x55: {  	_ =	shalt  }
0x56: {  	_ =	shalt  }
0x57: {  	_ =	shalt  }
0x58: {  	_ =	shalt  }
0x59: {  	_ =	shalt  }
0x5a: {  	_ =	shalt  }
0x5b: {  	_ =	shalt  }
0x5c: {  	_ =	shalt  }
0x5d: {  	_ =	shalt  }
0x5e: {  	_ =	shalt  }
0x5f: {  	_ =	shalt  }
0x60: {  	_ =	shalt  }
0x61: {  	_ =	shalt  }
0x62: {  	_ =	shalt  }
0x63: {  	_ =	shalt  }
0x64: {  	_ =	shalt  }
0x65: {  	_ =	shalt  }
0x66: {  	_ =	shalt  }
0x67: {  	_ =	shalt  }
0x68: {  	_ =	shalt  }
0x69: {  	_ =	shalt  }
0x6a: {  	_ =	shalt  }
0x6b: {  	_ =	shalt  }
0x6c: {  	_ =	shalt  }
0x6d: {  	_ =	shalt  }
0x6e: {  	_ =	shalt  }
0x6f: {  	_ =	shalt  }
0x70: {  	_ =	shalt  }
0x71: {  	_ =	shalt  }
0x72: {  	_ =	shalt  }
0x73: {  	_ =	shalt  }
0x74: {  	_ =	shalt  }
0x75: {  	_ =	shalt  }
0x76: {  	_ =	shalt  }
0x77: {  	_ =	shalt  }
0x78: {  	_ =	shalt  }
0x79: {  	_ =	shalt  }
0x7a: {  	_ =	shalt  }
0x7b: {  	_ =	shalt  }
0x7c: {  	_ =	shalt  }
0x7d: {  	_ =	shalt  }
0x7e: {  	_ =	shalt  }
0x7f: {  	_ =	shalt  }
0x80: {  	_ =	shalt  }
0x81: {  	_ =	shalt  }
0x82: {  	_ =	shalt  }
0x83: {  	_ =	shalt  }
0x84: {  	_ =	shalt  }
0x85: {  	_ =	shalt  }
0x86: {  	_ =	shalt  }
0x87: {  	_ =	shalt  }
.Lfunc_end0:
.L_simem_size_0:
called_computation_lowered:
.L_overlay_start_0:
0x88: {  	s2 =	sld [smem:$0x3FD9]  }
0x89: {  	s3 =	sld [smem:$0x3FFE];
	_ =	sdelay $0x1  }
0x8a: {  	s1 =	srdreg.scid  }
0x8b: {  	s0 =	sand.u32 $0x1, s1  }
0x8c: {  	s16 =	sshll.u32 s0, $0xA;
	s2 =	sadd.s32 s3, s2  }
0x8d: {  	s2 =	sadd.s32 s2, s16  }
0x8e: {  	[smem:$0x3FC7] =	sst s2  }
0x8f: {  	_ = 	snop  }
0x90: {  	(tm) =	ssettm $0x1  }
0x91: {  	s17 =	sld [smem:$0x3FFB];
	_ =	sdelay $0x3  }
0x92: {  	_ =	strace s17  }
0x93: {  	s2 =	sld [smem:$0x3FFC];
	_ =	sdelay $0x3  }
0x94: {  	_ =	strace s2  }
0x95: {  	s2 =	sld [smem:$0x3FFD];
	_ =	sdelay $0x3  }
0x96: {  	_ =	strace s2  }
0x97: {  	_ =	strace $0x8FFFFFFF  }
0x98: {  	s18 =	sld [smem:$0x3FDB];
	_ =	sdelay $0x1  }
0x99: {  	s19 =	simm.s32 $_scs_section_size  }
0x9a: {  	s4 =	simm.s32 $_size__tile_overlayer_lowered;
	s5 =	simm.s32 $_tile_overlayer_lowered  }
0x9b: {  	s22 =	simm.s32 $0x1BFF;
	s21 =	sshll.u32 s5, $0x1;
	s2 =	sadd.s32 s19, s18  }
0x9c: {  	s6 =	simm.s32 $0x0;
	s20 =	sshll.u32 s4, $0x1;
	s4 =	sadd.s32 s21, s2  }
0x9d: {  	[timem:s6], [sflag:s22] =	dma.local [hbm:s4], s20  }
0x9e: {  	_ =	swait.ge [sflag:s22], s20  }
0x9f: {  	s3 =	ssub.s32 $0x0, s20;
	[sflag:s22] =	ssyncset.done $0x0  }
0xa0: {  	[sflag:s22] =	ssyncadd.s32 s3;
	_ =	sdelay $0x1  }
0xa1: {  	s23 =	simm.s32 $0x1B8B  }
0xa2: {  	_ =	swait.ge [sflag:s23], $0x1  }
0xa3: {  	[sflag:s23] =	ssyncset.done $0x0  }
0xa4: {  	s25 =	simm.s32 $0x1B8E;
	s24 =	sld [smem:$0x3FFE];
	[sflag:s23] =	ssyncadd.s32 $0xFFFFFFFF  }
0xa5: {  	s26 =	simm.s32 $execute0_lowered;
	[smem:$0x3FD2] =	sst s25  }
0xa6: {  	s4 =	sshll.u32 s26, $0x1;
	_ =	strace $0x80000046;
	[dreg:$0x1] =	wrdreg $0xFFFFFFFF  }
0xa7: {  	s28 =	simm.s32 $_size_execute0_lowered;
	s2 =	sadd.s32 s2, s4;
	[dreg:$0x0] =	wrdreg $0x0  }
0xa8: {  	s4 =	sshll.u32 s28, $0x1;
	[dreg:$0x2] =	wrdreg s2  }
0xa9: {  	[dreg:$0x3] =	wrdreg s4  }
0xaa: {  	[dreg:$0x4] =	wrdreg $0xC0  }
0xab: {  	_ =	task [dreg:s6], $0x5FFFF  }
0xac: {  	[dreg:$0x1] =	wrdreg $0xFFFFFFFF  }
0xad: {  	[dreg:$0x0] =	wrdreg $0x60  }
0xae: {  	[dreg:$0x2] =	wrdreg s24  }
0xaf: {  	[dreg:$0x3] =	wrdreg $0x9  }
0xb0: {  	_ =	task.clear_ibuf [dreg:s6], $0x4FFFF;
	_ =	strace $0x90000046  }
0xb1: {  	s29 =	simm.s32 $0x9;
	_ =	strace $0x80000048  }
0xb2: {  	_ =	swait.ge [sflag:s29], $0x1  }
0xb3: {  	[sflag:s29] =	ssyncadd.s32 $0xFFFFFFFF  }
0xb4: {  	_ =	strace $0x90000048  }
0xb5: {  	_ =	sfence  }
0xb6: {  	s30 =	sld [smem:$0x0];
	_ =	sdelay $0x2  }
0xb7: {  	s31 =	sshll.u32 s1, $0xD;
	s1 =	sshrl.u32 s1, $0x2  }
0xb8: {  	s3 =	sand.u32 $0x4000, s31;
	s1 =	sadd.s32 s1, s30  }
0xb9: {  	s0 =	sor.u32 s3, s0;
	s1 =	sshll.u32 s1, $0x11  }
0xba: {  	s0 =	sor.u32 s1, s0  }
0xbb: {  	s0 =	sadd.s32 $0x8F2B, s0  }
0xbc: {  	[sflag:s0] =	ssyncadd.remote.s32 $0x1  }
0xbd: {  	_ =	sfence.sel $0xFFFF  }
0xbe: {  	[dreg:$0x0] =	wrdreg $0xFFFFFFFF;
	(pc) =	sbr.abs _section_cstart, $3  }
0xbf: {  	[dreg:$0x1] =	wrdreg $0xFFFFFFFF  }
0xc0: {  	_ =	task.clear_ibuf [dreg:s6], $0x2FFFF;
	_ =	strace $0x9FFFFFFF  }
0xc1: {  	(tm) =	ssettm $0x7FFFFFFF  }
tec
execute0_lowered:
.L_overlay_start_1:
0x0: {  	(tag) =	ssettag $0x1  }
0x1: {  	s0 =	stileid.u32  }
0x2: {  	s1 =	srdreg.scid;
	s2 =	sand.u32 $0x3, s0  }
0x3: {  	s3 =	sand.u32 $0x1, s1;
	s2 =	smul.u32 $0xC40000, s2  }
0x4: {  	s5 =	rddreg [dreg:$0x0];
	s30 =	sshrl.u32 s0, $0x2;
	s4 =	smul.u32 $0x620000, s3  }
0x5: {  	s7 =	simm.s32 $0x2;
	s8 =	simm.s32 $0x0;
	s6 =	smul.u32 $0x188000, s30  }
0x6: {  	s1 =	rddreg [dreg:$0x1];
	s3 =	ssub.s32 $0x2, s3;
	s4 =	sadd.s32 s4, s2  }
0x7: {  	s31 =	sshrl.u32 s3, $0x1;
	s2 =	simm.s32 $0x0;
	s4 =	sadd.s32 s6, s4  }
0x8: {  	s3 =	ssub.s32 s3, s31;
	[smem:$0x7FF] =	sst s2;
	s4 =	sshrl.u32 s4, $0x3  }
0x9: {  	s3 =	smax.u32 s3, $0x1;
	s6 =	simm.s32 $0x1;
	s5 =	sadd.s32 s4, s5  }
0xa: {  	_ =	strace $0x80000047;
	s4 =	sadd.s32 $0x620400, s5;
	s5 =	sadd.s32 $0x400, s5  }
.LBB2_1:
0xb: {  	s9 =	sadd.s32 $0x0, s5  }
0xc: {  	[tilespmem:s2], [sflag:$0x1] =	stream.linear.gather [hbm4b:s9+s2], $0xE000, $0x38;
	[tilespmem:$0xE000] =	vst v63  }
0xd: {  	_ =	swait.ge [sflag:s6], $0xE000  }
0xe: {  	[sflag:s6] =	ssyncset.done $0x0  }
0xf: {  	s31 =	sadd.s32 $0x0, s4;
	[sflag:s6] =	ssyncadd.s32 $0xFFFF2000  }
0x10: {  	[hbm4b:s31+s2] =	stream.linear.scatter [tilespmem:s2], [sflag:$0x2], $0xE000, $0x38;
	[tilespmem:$0xE000] =	vst v63  }
0x11: {  	_ =	swait.ge [sflag:s7], $0xE000  }
0x12: {  	s10 =	simm.s32 $0x3800;
	s9 =	simm.s32 $0x1C00;
	[sflag:s7] =	ssyncset.done $0x0  }
.LBB2_2:
0x13: {  	s11 =	sadd.s32 s9, s5  }
0x14: {  	[sflag:s7] =	ssyncadd.s32 $0xFFFF2000;
	s12 =	smov.u32 s10;
	s13 =	sadd.s32 $0x1C00, s10  }
0x15: {  	[tilespmem:s2], [sflag:$0x1] =	stream.linear.gather [hbm4b:s11+s2], $0xE000, $0x38;
	[tilespmem:$0xE000] =	vst v63  }
0x16: {  	p0 =	sne.s32 s10, $0x2F400;
	_ =	swait.ge [sflag:s6], $0xE000  }
.Ltmp0:
0x17: {  	[sflag:s6] =	ssyncset.done $0x0;
	(pc) =	sbr.rel @p0 .LBB2_2-.Ltmp0, $4  }
0x18: {  	s10 =	sadd.s32 s9, s4;
	s9 =	smov.u32 s12;
	[sflag:s6] =	ssyncadd.s32 $0xFFFF2000  }
0x19: {  	[hbm4b:s10+s2] =	stream.linear.scatter [tilespmem:s2], [sflag:$0x2], $0xE000, $0x38;
	[tilespmem:$0xE000] =	vst v63  }
0x1a: {  	_ =	swait.ge [sflag:s7], $0xE000  }
0x1b: {  	s10 =	smov.u32 s13;
	[sflag:s7] =	ssyncset.done $0x0  }
0x1c: {  	s10 =	sadd.s32 s9, s5;
	[sflag:s7] =	ssyncadd.s32 $0xFFFF2000  }
0x1d: {  	[tilespmem:s2], [sflag:$0x1] =	stream.linear.gather [hbm4b:s10+s2], $0xE000, $0x38;
	[tilespmem:$0xE000] =	vst v63  }
0x1e: {  	s8 =	sadd.s32 $0x1, s8;
	_ =	swait.ge [sflag:s6], $0xE000  }
0x1f: {  	p0 =	sne.s32 s8, s3;
	[sflag:s6] =	ssyncset.done $0x0  }
.Ltmp1:
0x20: {  	s31 =	sadd.s32 s9, s4;
	[sflag:s6] =	ssyncadd.s32 $0xFFFF2000;
	(pc) =	sbr.rel @p0 .LBB2_1-.Ltmp1, $4  }
0x21: {  	[hbm4b:s31+s2] =	stream.linear.scatter [tilespmem:s2], [sflag:$0x2], $0xE000, $0x38;
	[tilespmem:$0xE000] =	vst v63  }
0x22: {  	_ =	swait.ge [sflag:s7], $0xE000  }
0x23: {  	[sflag:s7] =	ssyncset.done $0x0  }
0x24: {  	[sflag:s7] =	ssyncadd.s32 $0xFFFF2000  }
0x25: {  	_ =	sfence.sel $0x180000  }
0x26: {  	[bflag:$0x0] =	sbarrier.arrive $0xFFFF  }
0x27: {  	p0 =	sne.s32 s0, $0x0;
	_ =	strace $0x90000047  }
0x28: {  	s0 =	sadd.s32 @!p0 $0x100000, s1;
	[bflag:$0x2] =	sbarrier.arrive $0xFFFF  }
0x29: {  	[sflag:s0] =	ssyncadd.tile.s32 @!p0 $0x1;
	_ =	shalt  }
.Lfunc_end2:
_tile_overlayer_lowered:
.L_overlay_start_2:
0x2a: {  	(tag) =	ssettag $0x2  }
0x2b: {  	s0 =	rddreg [dreg:$0x0];
	s2 =	stileid.u32  }
0x2c: {  	s1 =	rddreg [dreg:$0x1];
	p0 =	sne.s32 s2, $0x0  }
0x2d: {  	s3 =	rddreg [dreg:$0x2];
	[bflag:$0x3] =	sbarrier.arrive $0xFFFF;
	s2 =	simm.s32 @!p0 $0x1C03  }
0x2e: {  	[timem:s3], [sflag:s2] =	dma.local @!p0 [hbm:s0], s1  }
0x2f: {  	s0 =	simm.s32 @!p0 $0x3  }
0x30: {  	_ =	swait.ge @!p0 [sflag:s0], s1  }
0x31: {  	s1 =	ssub.s32 @!p0 $0x0, s1;
	[sflag:s0] =	ssyncset.done @!p0 $0x0  }
0x32: {  	[sflag:s0] =	ssyncadd.s32 @!p0 s1  }
0x33: {  	[bflag:$0x3] =	sbarrier.arrive $0xFFFF  }
0x34: {  	_ =	shalt  }

</sc_bundles>
